<compile_context>
chip_gen: v7x
topology: tpu7x:2x2x1
jax: 0.10.2.dev20260603
libtpu: 0.0.44.dev20260713+nightly
codegen_flags: <defaults>
</compile_context>

<pallas_src>
import functools

import jax
import jax.numpy as jnp
from jax import lax
from jax.experimental import pallas as pl
from jax.experimental.pallas import tpu as pltpu
from jax.experimental.pallas import tpu_sc as plsc

_IN_DIM = 768
_LATENT = 64
_NT0, _NT1 = 32, 32
_NEMB = _NT0 * _NT1
_COMMIT = 0.32
_SOM_MULT = 1.2

_BLKA = 512
_BLKB = 2048


def _proj_body(x_ref, wT_ref, b_ref, ze_ref):
    ze_ref[...] = jnp.dot(x_ref[...], wT_ref[...]) + b_ref[...]


def _vq_body(ze_ref, m2embT_ref,
             k_ref, loss_ref, *, nrows):
    i = pl.program_id(0)

    z_e = ze_ref[...]
    m2embT = m2embT_ref[...]
    s2 = jnp.dot(z_e, m2embT)
    ze2 = jnp.sum(z_e * z_e, axis=1, keepdims=True)
    e2 = 0.25 * jnp.sum(m2embT * m2embT, axis=0, keepdims=True)
    d2m = jnp.maximum((ze2 + e2) + s2, 0.0)
    dist = jnp.sqrt(d2m)

    m = jnp.min(dist, axis=1, keepdims=True)
    ci = jax.lax.broadcasted_iota(jnp.int32, (_BLKB, _NEMB), 1)
    kk = jnp.min(jnp.where(dist == m, ci, _NEMB), axis=1, keepdims=True)
    k_ref[0, 0, :] = kk[:, 0]

    k1 = kk >> 5
    k2 = kk & 31
    none = jnp.full_like(kk, -1)
    tu = jnp.where(k1 < _NT0 - 1, kk + _NT1, none)
    td = jnp.where(k1 > 0, kk - _NT1, none)
    tr = jnp.where(k2 < _NT1 - 1, kk + 1, none)
    tl = jnp.where(k2 > 0, kk - 1, none)
    mall = (ci == kk) | (ci == tu) | (ci == td) | (ci == tr) | (ci == tl)

    nbsum = jnp.sum(jnp.where(mall, d2m, jnp.zeros_like(d2m)),
                    axis=1, keepdims=True)
    cnt = (1
           + (k1 < _NT0 - 1).astype(jnp.float32)
           + (k1 > 0).astype(jnp.float32)
           + (k2 < _NT1 - 1).astype(jnp.float32)
           + (k2 > 0).astype(jnp.float32))
    commit_part = jnp.sum(m * m)
    som_part = jnp.sum(nbsum + (5.0 - cnt) * ze2)
    c1 = _COMMIT / (nrows * _LATENT)
    c2 = _SOM_MULT / (nrows * 5 * _LATENT)
    part = c1 * commit_part + c2 * som_part

    @pl.when(i == 0)
    def _():
        loss_ref[0, 0] = 0.0

    loss_ref[0, 0] += part


_GCHUNK = 96


def _sc_gather_rows(emb_pad, idx, n):
    info = plsc.get_sparse_core_info()
    nc, ns = info.num_cores, info.num_subcores
    nw = nc * ns
    b_per_w = n // nw
    width = emb_pad.shape[1]
    mesh = plsc.VectorSubcoreMesh(core_axis_name="c", subcore_axis_name="s")

    @functools.partial(
        pl.kernel, mesh=mesh,
        out_type=jax.ShapeDtypeStruct((n, width), jnp.float32),
        scratch_types=[
            pltpu.VMEM((b_per_w,), jnp.int32),
            pltpu.VMEM((b_per_w, width), jnp.float32),
            pltpu.SemaphoreType.DMA,
        ],
    )
    def _gather(emb_hbm, idx_hbm, out_hbm, idx_v, rows_v, sem):
        wid = lax.axis_index("s") * nc + lax.axis_index("c")
        base = wid * b_per_w
        pltpu.sync_copy(idx_hbm.at[pl.ds(base, b_per_w)], idx_v)
        descs = []
        for off in range(0, b_per_w, _GCHUNK):
            descs.append(pltpu.async_copy(
                emb_hbm.at[idx_v.at[pl.ds(off, _GCHUNK)]],
                rows_v.at[pl.ds(off, _GCHUNK)], sem))
        for d in descs:
            d.wait()
        pltpu.sync_copy(rows_v, out_hbm.at[pl.ds(base, b_per_w)])

    return _gather(emb_pad, idx)


def kernel(x, emb, W_p, b_p):
    inp_shape = x.shape[:-1]
    n = x.shape[0] * x.shape[1]
    xf = x.reshape(n, _IN_DIM)
    nblk = n // _BLKB

    wT = W_p.T
    b2 = b_p.reshape(1, _LATENT)
    m2embT = -2.0 * emb.T

    z_e = pl.pallas_call(
        _proj_body,
        grid=(n // _BLKA,),
        in_specs=[
            pl.BlockSpec((_BLKA, _IN_DIM), lambda i: (i, 0)),
            pl.BlockSpec((_IN_DIM, _LATENT), lambda i: (0, 0)),
            pl.BlockSpec((1, _LATENT), lambda i: (0, 0)),
        ],
        out_specs=pl.BlockSpec((_BLKA, _LATENT), lambda i: (i, 0)),
        out_shape=jax.ShapeDtypeStruct((n, _LATENT), jnp.float32),
    )(xf, wT, b2)

    k3, loss = pl.pallas_call(
        functools.partial(_vq_body, nrows=n),
        grid=(nblk,),
        in_specs=[
            pl.BlockSpec((_BLKB, _LATENT), lambda i: (i, 0)),
            pl.BlockSpec((_LATENT, _NEMB), lambda i: (0, 0)),
        ],
        out_specs=[
            pl.BlockSpec((1, 1, _BLKB), lambda i: (i, 0, 0)),
            pl.BlockSpec(memory_space=pltpu.SMEM),
        ],
        out_shape=[
            jax.ShapeDtypeStruct((nblk, 1, _BLKB), jnp.int32),
            jax.ShapeDtypeStruct((1, 1), jnp.float32),
        ],
    )(z_e, m2embT)

    emb_pad = jnp.pad(emb, ((0, 0), (0, 128 - _LATENT)))
    z_q = _sc_gather_rows(emb_pad, k3.reshape(n), n)[:, :_LATENT]

    z_q_out = z_q.reshape(inp_shape + (_LATENT,))
    z_e_out = z_e.reshape(inp_shape + (_LATENT,))
    k_out = k3.reshape(inp_shape)
    return (z_q_out, loss[0, 0], z_e_out, z_q_out, k_out[..., None])

# --- scband reference (transcript-rebuilt; emitter-appended) ---
"""Pipeline reference for scband-sombottleneck-56410100465705 (READ-ONLY COPY).

The authoritative reference and input builder live on the scoring server;
editing this copy changes nothing except your own understanding.
"""

import jax, jax.numpy as jnp
import numpy as np

IN_DIM = 768
LATENT = 64
NT = [32, 32]
NEMB = NT[0] * NT[1]
COMMIT = 0.32
SOM_MULT = 1.2
B, T = 32, 576


def setup_inputs(seed: int = 0) -> dict:
    key = jax.random.key(seed)
    k1, k2, k3, k4 = jax.random.split(key, 4)
    x = jax.random.normal(k1, (B, T, IN_DIM), dtype=jnp.float32)
    # xavier_uniform_ init for embedding table [NEMB, LATENT]
    lim = float(np.sqrt(6.0 / (NEMB + LATENT)))
    emb = jax.random.uniform(k2, (NEMB, LATENT), dtype=jnp.float32, minval=-lim, maxval=lim)
    # nn.Linear(in_dim, latent_dim) default init: U(-1/sqrt(fan_in), 1/sqrt(fan_in))
    wlim = float(1.0 / np.sqrt(IN_DIM))
    W_p = jax.random.uniform(k3, (LATENT, IN_DIM), dtype=jnp.float32, minval=-wlim, maxval=wlim)
    b_p = jax.random.uniform(k4, (LATENT,), dtype=jnp.float32, minval=-wlim, maxval=wlim)
    return {"x": x, "emb": emb, "W_p": W_p, "b_p": b_p}


def _z_q_ne(z_q, k, codebook):
    k_1 = k // NT[1]
    k_2 = k % NT[1]
    k1_not_top = k_1 < (NT[0] - 1)
    k1_not_bottom = k_1 > 0
    k2_not_right = k_2 < (NT[1] - 1)
    k2_not_left = k_2 > 0
    k1_up = jnp.where(k1_not_top, k_1 + 1, k_1)
    k1_down = jnp.where(k1_not_bottom, k_1 - 1, k_1)
    k2_right = jnp.where(k2_not_right, k_2 + 1, k_2)
    k2_left = jnp.where(k2_not_left, k_2 - 1, k_2)
    zeros = jnp.zeros_like(z_q)
    z_q_up = jnp.where(k1_not_top[:, None], codebook[k1_up * NT[1] + k_2], zeros)
    z_q_down = jnp.where(k1_not_bottom[:, None], codebook[k1_down * NT[1] + k_2], zeros)
    z_q_right = jnp.where(k2_not_right[:, None], codebook[k_1 * NT[1] + k2_right], zeros)
    z_q_left = jnp.where(k2_not_left[:, None], codebook[k_1 * NT[1] + k2_left], zeros)
    return jnp.stack([z_q, z_q_up, z_q_down, z_q_right, z_q_left], axis=1)


def reference(x, emb, W_p, b_p):
    inp_shape = x.shape[:-1]
    xf = x.reshape(-1, x.shape[-1])
    z_e = xf @ W_p.T + b_p
    # torch.cdist (p=2) via expanded quadratic form
    d2 = (jnp.sum(z_e ** 2, axis=-1, keepdims=True)
          + jnp.sum(emb ** 2, axis=-1)[None, :]
          - 2.0 * (z_e @ emb.T))
    z_dist_flat = jnp.sqrt(jnp.maximum(d2, 0.0))
    k = jnp.argmin(z_dist_flat, axis=-1)
    z_q = jnp.take(emb, k, axis=0)
    z_q_ne = _z_q_ne(z_q, k, emb)
    commit_loss = jnp.mean((z_e - jax.lax.stop_gradient(z_q)) ** 2)
    som_loss = jnp.mean((jax.lax.stop_gradient(z_e)[:, None, :] - z_q_ne) ** 2)
    loss = COMMIT * commit_loss + SOM_MULT * som_loss
    z_q_out = z_q.reshape(inp_shape + (-1,))
    z_e_out = z_e.reshape(inp_shape + (-1,))
    k_out = k.reshape(inp_shape)
    return (z_q_out, loss, z_e_out, jax.lax.stop_gradient(z_q_out), k_out[..., None])

if __name__ == "__main__":
    import jax
    _d = setup_inputs()
    print(jax.jit(kernel)(*tuple(_d.values())))

</pallas_src>

<mosaic_0001>
#map = affine_map<(d0, d1) -> (0, 0)>
#map1 = affine_map<(d0, d1) -> (0)>
module attributes {stable_mosaic.version = 14 : i64} {
  func.func @_gather(%arg0: i32, %arg1: i32, %arg2: memref<1024x128xf32, #tpu.memory_space<hbm>>, %arg3: memref<18432xi32, #tpu.memory_space<hbm>>, %arg4: memref<18432x128xf32, #tpu.memory_space<hbm>>, %arg5: memref<576xi32, #tpu.memory_space<vmem>>, %arg6: memref<576x128xf32, #tpu.memory_space<vmem>>, %arg7: memref<!tpu.dma_semaphore, #tpu.memory_space<semaphore_mem>>) attributes {dimension_semantics = [#tpu.dimension_semantics<core_parallel>, #tpu.dimension_semantics<subcore_parallel>], iteration_bounds = array<i64: 2, 16>, scalar_prefetch = 0 : i64, scratch_operands = 3 : i64, tpu.core_type = #tpu.core_type<sc_vector_subcore>, window_params = [{transform_indices = #map}, {transform_indices = #map1}, {transform_indices = #map}]} {
    %mul3A = arith.constant 2 : i32
    %mul3A_0 = arith.muli %arg1, %mul3A : i32
    %add3A = arith.addi %mul3A_0, %arg0 : i32
    %mul3A_1 = arith.constant 576 : i32
    %mul3A_2 = arith.muli %add3A, %mul3A_1 : i32
    "tpu.region"() ({
      %run_scoped3A = tpu.sem_alloc : memref<!tpu.dma_semaphore, #tpu.memory_space<semaphore_mem>>
      %dma_start3A_97 = tpu.memref_slice %arg3[%mul3A_2] : memref<18432xi32, #tpu.memory_space<hbm>> -> memref<576xi32, #tpu.memory_space<hbm>>
      %dma_start3A_98 = tpu.memref_slice %arg3[%mul3A_2] : memref<18432xi32, #tpu.memory_space<hbm>> -> memref<576xi32, #tpu.memory_space<hbm>>
      tpu.enqueue_dma source(%dma_start3A_98 : memref<576xi32, #tpu.memory_space<hbm>>) target(%arg5 : memref<576xi32, #tpu.memory_space<vmem>>) target_semaphore(%run_scoped3A : memref<!tpu.dma_semaphore, #tpu.memory_space<semaphore_mem>>)
      %dma_wait3A_99 = tpu.memref_slice %arg3[%mul3A_2] : memref<18432xi32, #tpu.memory_space<hbm>> -> memref<576xi32, #tpu.memory_space<hbm>>
      %dma_wait3A_100 = tpu.memref_slice %arg3[%mul3A_2] : memref<18432xi32, #tpu.memory_space<hbm>> -> memref<576xi32, #tpu.memory_space<hbm>>
      tpu.wait_dma2 semaphore(%run_scoped3A : memref<!tpu.dma_semaphore, #tpu.memory_space<semaphore_mem>>) src(%dma_wait3A_100 : memref<576xi32, #tpu.memory_space<hbm>>) dst(%arg5 : memref<576xi32, #tpu.memory_space<vmem>>)
      tpu.yield
    }) : () -> ()
    %dma_start3A = arith.constant 0 : i32
    %dma_start3A_3 = arith.constant 0 : i32
    %dma_start3A_4 = tpu.memref_slice %arg6[%dma_start3A, %dma_start3A_3] : memref<576x128xf32, #tpu.memory_space<vmem>> -> memref<96x128xf32, #tpu.memory_space<vmem>>
    %dma_start3A_5 = arith.constant 0 : i32
    %dma_start3A_6 = tpu.memref_slice %arg5[%dma_start3A_5] : memref<576xi32, #tpu.memory_space<vmem>> -> memref<96xi32, #tpu.memory_space<vmem>>
    %dma_start3A_7 = arith.constant 0 : i32
    %dma_start3A_8 = arith.constant 0 : i32
    %dma_start3A_9 = tpu.memref_slice %arg2[%dma_start3A_7, %dma_start3A_8] : memref<1024x128xf32, #tpu.memory_space<hbm>> -> memref<1024x128xf32, #tpu.memory_space<hbm>>
    tpu.enqueue_indirect_dma source(%dma_start3A_9 : memref<1024x128xf32, #tpu.memory_space<hbm>>) target(%dma_start3A_4 : memref<96x128xf32, #tpu.memory_space<vmem>>) offsets(%dma_start3A_6 : memref<96xi32, #tpu.memory_space<vmem>>) semaphore(%arg7 : memref<!tpu.dma_semaphore, #tpu.memory_space<semaphore_mem>>)
    %dma_start3A_10 = arith.constant 96 : i32
    %dma_start3A_11 = arith.constant 0 : i32
    %dma_start3A_12 = tpu.memref_slice %arg6[%dma_start3A_10, %dma_start3A_11] : memref<576x128xf32, #tpu.memory_space<vmem>> -> memref<96x128xf32, #tpu.memory_space<vmem>>
    %dma_start3A_13 = arith.constant 96 : i32
    %dma_start3A_14 = tpu.memref_slice %arg5[%dma_start3A_13] : memref<576xi32, #tpu.memory_space<vmem>> -> memref<96xi32, #tpu.memory_space<vmem>>
    %dma_start3A_15 = arith.constant 0 : i32
    %dma_start3A_16 = arith.constant 0 : i32
    %dma_start3A_17 = tpu.memref_slice %arg2[%dma_start3A_15, %dma_start3A_16] : memref<1024x128xf32, #tpu.memory_space<hbm>> -> memref<1024x128xf32, #tpu.memory_space<hbm>>
    tpu.enqueue_indirect_dma source(%dma_start3A_17 : memref<1024x128xf32, #tpu.memory_space<hbm>>) target(%dma_start3A_12 : memref<96x128xf32, #tpu.memory_space<vmem>>) offsets(%dma_start3A_14 : memref<96xi32, #tpu.memory_space<vmem>>) semaphore(%arg7 : memref<!tpu.dma_semaphore, #tpu.memory_space<semaphore_mem>>)
    %dma_start3A_18 = arith.constant 192 : i32
    %dma_start3A_19 = arith.constant 0 : i32
    %dma_start3A_20 = tpu.memref_slice %arg6[%dma_start3A_18, %dma_start3A_19] : memref<576x128xf32, #tpu.memory_space<vmem>> -> memref<96x128xf32, #tpu.memory_space<vmem>>
    %dma_start3A_21 = arith.constant 192 : i32
    %dma_start3A_22 = tpu.memref_slice %arg5[%dma_start3A_21] : memref<576xi32, #tpu.memory_space<vmem>> -> memref<96xi32, #tpu.memory_space<vmem>>
    %dma_start3A_23 = arith.constant 0 : i32
    %dma_start3A_24 = arith.constant 0 : i32
    %dma_start3A_25 = tpu.memref_slice %arg2[%dma_start3A_23, %dma_start3A_24] : memref<1024x128xf32, #tpu.memory_space<hbm>> -> memref<1024x128xf32, #tpu.memory_space<hbm>>
    tpu.enqueue_indirect_dma source(%dma_start3A_25 : memref<1024x128xf32, #tpu.memory_space<hbm>>) target(%dma_start3A_20 : memref<96x128xf32, #tpu.memory_space<vmem>>) offsets(%dma_start3A_22 : memref<96xi32, #tpu.memory_space<vmem>>) semaphore(%arg7 : memref<!tpu.dma_semaphore, #tpu.memory_space<semaphore_mem>>)
    %dma_start3A_26 = arith.constant 288 : i32
    %dma_start3A_27 = arith.constant 0 : i32
    %dma_start3A_28 = tpu.memref_slice %arg6[%dma_start3A_26, %dma_start3A_27] : memref<576x128xf32, #tpu.memory_space<vmem>> -> memref<96x128xf32, #tpu.memory_space<vmem>>
    %dma_start3A_29 = arith.constant 288 : i32
    %dma_start3A_30 = tpu.memref_slice %arg5[%dma_start3A_29] : memref<576xi32, #tpu.memory_space<vmem>> -> memref<96xi32, #tpu.memory_space<vmem>>
    %dma_start3A_31 = arith.constant 0 : i32
    %dma_start3A_32 = arith.constant 0 : i32
    %dma_start3A_33 = tpu.memref_slice %arg2[%dma_start3A_31, %dma_start3A_32] : memref<1024x128xf32, #tpu.memory_space<hbm>> -> memref<1024x128xf32, #tpu.memory_space<hbm>>
    tpu.enqueue_indirect_dma source(%dma_start3A_33 : memref<1024x128xf32, #tpu.memory_space<hbm>>) target(%dma_start3A_28 : memref<96x128xf32, #tpu.memory_space<vmem>>) offsets(%dma_start3A_30 : memref<96xi32, #tpu.memory_space<vmem>>) semaphore(%arg7 : memref<!tpu.dma_semaphore, #tpu.memory_space<semaphore_mem>>)
    %dma_start3A_34 = arith.constant 384 : i32
    %dma_start3A_35 = arith.constant 0 : i32
    %dma_start3A_36 = tpu.memref_slice %arg6[%dma_start3A_34, %dma_start3A_35] : memref<576x128xf32, #tpu.memory_space<vmem>> -> memref<96x128xf32, #tpu.memory_space<vmem>>
    %dma_start3A_37 = arith.constant 384 : i32
    %dma_start3A_38 = tpu.memref_slice %arg5[%dma_start3A_37] : memref<576xi32, #tpu.memory_space<vmem>> -> memref<96xi32, #tpu.memory_space<vmem>>
    %dma_start3A_39 = arith.constant 0 : i32
    %dma_start3A_40 = arith.constant 0 : i32
    %dma_start3A_41 = tpu.memref_slice %arg2[%dma_start3A_39, %dma_start3A_40] : memref<1024x128xf32, #tpu.memory_space<hbm>> -> memref<1024x128xf32, #tpu.memory_space<hbm>>
    tpu.enqueue_indirect_dma source(%dma_start3A_41 : memref<1024x128xf32, #tpu.memory_space<hbm>>) target(%dma_start3A_36 : memref<96x128xf32, #tpu.memory_space<vmem>>) offsets(%dma_start3A_38 : memref<96xi32, #tpu.memory_space<vmem>>) semaphore(%arg7 : memref<!tpu.dma_semaphore, #tpu.memory_space<semaphore_mem>>)
    %dma_start3A_42 = arith.constant 480 : i32
    %dma_start3A_43 = arith.constant 0 : i32
    %dma_start3A_44 = tpu.memref_slice %arg6[%dma_start3A_42, %dma_start3A_43] : memref<576x128xf32, #tpu.memory_space<vmem>> -> memref<96x128xf32, #tpu.memory_space<vmem>>
    %dma_start3A_45 = arith.constant 480 : i32
    %dma_start3A_46 = tpu.memref_slice %arg5[%dma_start3A_45] : memref<576xi32, #tpu.memory_space<vmem>> -> memref<96xi32, #tpu.memory_space<vmem>>
    %dma_start3A_47 = arith.constant 0 : i32
    %dma_start3A_48 = arith.constant 0 : i32
    %dma_start3A_49 = tpu.memref_slice %arg2[%dma_start3A_47, %dma_start3A_48] : memref<1024x128xf32, #tpu.memory_space<hbm>> -> memref<1024x128xf32, #tpu.memory_space<hbm>>
    tpu.enqueue_indirect_dma source(%dma_start3A_49 : memref<1024x128xf32, #tpu.memory_space<hbm>>) target(%dma_start3A_44 : memref<96x128xf32, #tpu.memory_space<vmem>>) offsets(%dma_start3A_46 : memref<96xi32, #tpu.memory_space<vmem>>) semaphore(%arg7 : memref<!tpu.dma_semaphore, #tpu.memory_space<semaphore_mem>>)
    %dma_wait3A = arith.constant 0 : i32
    %dma_wait3A_50 = arith.constant 0 : i32
    %dma_wait3A_51 = tpu.memref_slice %arg6[%dma_wait3A, %dma_wait3A_50] : memref<576x128xf32, #tpu.memory_space<vmem>> -> memref<96x128xf32, #tpu.memory_space<vmem>>
    %dma_wait3A_52 = arith.constant 0 : i32
    %dma_wait3A_53 = tpu.memref_slice %arg5[%dma_wait3A_52] : memref<576xi32, #tpu.memory_space<vmem>> -> memref<96xi32, #tpu.memory_space<vmem>>
    %dma_wait3A_54 = arith.constant 0 : i32
    %dma_wait3A_55 = arith.constant 0 : i32
    %dma_wait3A_56 = tpu.memref_slice %arg2[%dma_wait3A_54, %dma_wait3A_55] : memref<1024x128xf32, #tpu.memory_space<hbm>> -> memref<1024x128xf32, #tpu.memory_space<hbm>>
    tpu.wait_indirect_dma semaphore(%arg7 : memref<!tpu.dma_semaphore, #tpu.memory_space<semaphore_mem>>) src(%dma_wait3A_56 : memref<1024x128xf32, #tpu.memory_space<hbm>>) dst(%dma_wait3A_51 : memref<96x128xf32, #tpu.memory_space<vmem>>)
    %dma_wait3A_57 = arith.constant 96 : i32
    %dma_wait3A_58 = arith.constant 0 : i32
    %dma_wait3A_59 = tpu.memref_slice %arg6[%dma_wait3A_57, %dma_wait3A_58] : memref<576x128xf32, #tpu.memory_space<vmem>> -> memref<96x128xf32, #tpu.memory_space<vmem>>
    %dma_wait3A_60 = arith.constant 96 : i32
    %dma_wait3A_61 = tpu.memref_slice %arg5[%dma_wait3A_60] : memref<576xi32, #tpu.memory_space<vmem>> -> memref<96xi32, #tpu.memory_space<vmem>>
    %dma_wait3A_62 = arith.constant 0 : i32
    %dma_wait3A_63 = arith.constant 0 : i32
    %dma_wait3A_64 = tpu.memref_slice %arg2[%dma_wait3A_62, %dma_wait3A_63] : memref<1024x128xf32, #tpu.memory_space<hbm>> -> memref<1024x128xf32, #tpu.memory_space<hbm>>
    tpu.wait_indirect_dma semaphore(%arg7 : memref<!tpu.dma_semaphore, #tpu.memory_space<semaphore_mem>>) src(%dma_wait3A_64 : memref<1024x128xf32, #tpu.memory_space<hbm>>) dst(%dma_wait3A_59 : memref<96x128xf32, #tpu.memory_space<vmem>>)
    %dma_wait3A_65 = arith.constant 192 : i32
    %dma_wait3A_66 = arith.constant 0 : i32
    %dma_wait3A_67 = tpu.memref_slice %arg6[%dma_wait3A_65, %dma_wait3A_66] : memref<576x128xf32, #tpu.memory_space<vmem>> -> memref<96x128xf32, #tpu.memory_space<vmem>>
    %dma_wait3A_68 = arith.constant 192 : i32
    %dma_wait3A_69 = tpu.memref_slice %arg5[%dma_wait3A_68] : memref<576xi32, #tpu.memory_space<vmem>> -> memref<96xi32, #tpu.memory_space<vmem>>
    %dma_wait3A_70 = arith.constant 0 : i32
    %dma_wait3A_71 = arith.constant 0 : i32
    %dma_wait3A_72 = tpu.memref_slice %arg2[%dma_wait3A_70, %dma_wait3A_71] : memref<1024x128xf32, #tpu.memory_space<hbm>> -> memref<1024x128xf32, #tpu.memory_space<hbm>>
    tpu.wait_indirect_dma semaphore(%arg7 : memref<!tpu.dma_semaphore, #tpu.memory_space<semaphore_mem>>) src(%dma_wait3A_72 : memref<1024x128xf32, #tpu.memory_space<hbm>>) dst(%dma_wait3A_67 : memref<96x128xf32, #tpu.memory_space<vmem>>)
    %dma_wait3A_73 = arith.constant 288 : i32
    %dma_wait3A_74 = arith.constant 0 : i32
    %dma_wait3A_75 = tpu.memref_slice %arg6[%dma_wait3A_73, %dma_wait3A_74] : memref<576x128xf32, #tpu.memory_space<vmem>> -> memref<96x128xf32, #tpu.memory_space<vmem>>
    %dma_wait3A_76 = arith.constant 288 : i32
    %dma_wait3A_77 = tpu.memref_slice %arg5[%dma_wait3A_76] : memref<576xi32, #tpu.memory_space<vmem>> -> memref<96xi32, #tpu.memory_space<vmem>>
    %dma_wait3A_78 = arith.constant 0 : i32
    %dma_wait3A_79 = arith.constant 0 : i32
    %dma_wait3A_80 = tpu.memref_slice %arg2[%dma_wait3A_78, %dma_wait3A_79] : memref<1024x128xf32, #tpu.memory_space<hbm>> -> memref<1024x128xf32, #tpu.memory_space<hbm>>
    tpu.wait_indirect_dma semaphore(%arg7 : memref<!tpu.dma_semaphore, #tpu.memory_space<semaphore_mem>>) src(%dma_wait3A_80 : memref<1024x128xf32, #tpu.memory_space<hbm>>) dst(%dma_wait3A_75 : memref<96x128xf32, #tpu.memory_space<vmem>>)
    %dma_wait3A_81 = arith.constant 384 : i32
    %dma_wait3A_82 = arith.constant 0 : i32
    %dma_wait3A_83 = tpu.memref_slice %arg6[%dma_wait3A_81, %dma_wait3A_82] : memref<576x128xf32, #tpu.memory_space<vmem>> -> memref<96x128xf32, #tpu.memory_space<vmem>>
    %dma_wait3A_84 = arith.constant 384 : i32
    %dma_wait3A_85 = tpu.memref_slice %arg5[%dma_wait3A_84] : memref<576xi32, #tpu.memory_space<vmem>> -> memref<96xi32, #tpu.memory_space<vmem>>
    %dma_wait3A_86 = arith.constant 0 : i32
    %dma_wait3A_87 = arith.constant 0 : i32
    %dma_wait3A_88 = tpu.memref_slice %arg2[%dma_wait3A_86, %dma_wait3A_87] : memref<1024x128xf32, #tpu.memory_space<hbm>> -> memref<1024x128xf32, #tpu.memory_space<hbm>>
    tpu.wait_indirect_dma semaphore(%arg7 : memref<!tpu.dma_semaphore, #tpu.memory_space<semaphore_mem>>) src(%dma_wait3A_88 : memref<1024x128xf32, #tpu.memory_space<hbm>>) dst(%dma_wait3A_83 : memref<96x128xf32, #tpu.memory_space<vmem>>)
    %dma_wait3A_89 = arith.constant 480 : i32
    %dma_wait3A_90 = arith.constant 0 : i32
    %dma_wait3A_91 = tpu.memref_slice %arg6[%dma_wait3A_89, %dma_wait3A_90] : memref<576x128xf32, #tpu.memory_space<vmem>> -> memref<96x128xf32, #tpu.memory_space<vmem>>
    %dma_wait3A_92 = arith.constant 480 : i32
    %dma_wait3A_93 = tpu.memref_slice %arg5[%dma_wait3A_92] : memref<576xi32, #tpu.memory_space<vmem>> -> memref<96xi32, #tpu.memory_space<vmem>>
    %dma_wait3A_94 = arith.constant 0 : i32
    %dma_wait3A_95 = arith.constant 0 : i32
    %dma_wait3A_96 = tpu.memref_slice %arg2[%dma_wait3A_94, %dma_wait3A_95] : memref<1024x128xf32, #tpu.memory_space<hbm>> -> memref<1024x128xf32, #tpu.memory_space<hbm>>
    tpu.wait_indirect_dma semaphore(%arg7 : memref<!tpu.dma_semaphore, #tpu.memory_space<semaphore_mem>>) src(%dma_wait3A_96 : memref<1024x128xf32, #tpu.memory_space<hbm>>) dst(%dma_wait3A_91 : memref<96x128xf32, #tpu.memory_space<vmem>>)
    "tpu.region"() ({
      %run_scoped3A = tpu.sem_alloc : memref<!tpu.dma_semaphore, #tpu.memory_space<semaphore_mem>>
      %dma_start3A_97 = arith.constant 0 : i32
      %dma_start3A_98 = tpu.memref_slice %arg4[%mul3A_2, %dma_start3A_97] : memref<18432x128xf32, #tpu.memory_space<hbm>> -> memref<576x128xf32, #tpu.memory_space<hbm>>
      %dma_start3A_99 = arith.constant 0 : i32
      %dma_start3A_100 = tpu.memref_slice %arg4[%mul3A_2, %dma_start3A_99] : memref<18432x128xf32, #tpu.memory_space<hbm>> -> memref<576x128xf32, #tpu.memory_space<hbm>>
      tpu.enqueue_dma source(%arg6 : memref<576x128xf32, #tpu.memory_space<vmem>>) target(%dma_start3A_100 : memref<576x128xf32, #tpu.memory_space<hbm>>) target_semaphore(%run_scoped3A : memref<!tpu.dma_semaphore, #tpu.memory_space<semaphore_mem>>)
      %dma_wait3A_101 = arith.constant 0 : i32
      %dma_wait3A_102 = tpu.memref_slice %arg4[%mul3A_2, %dma_wait3A_101] : memref<18432x128xf32, #tpu.memory_space<hbm>> -> memref<576x128xf32, #tpu.memory_space<hbm>>
      %dma_wait3A_103 = arith.constant 0 : i32
      %dma_wait3A_104 = tpu.memref_slice %arg4[%mul3A_2, %dma_wait3A_103] : memref<18432x128xf32, #tpu.memory_space<hbm>> -> memref<576x128xf32, #tpu.memory_space<hbm>>
      tpu.wait_dma2 semaphore(%run_scoped3A : memref<!tpu.dma_semaphore, #tpu.memory_space<semaphore_mem>>) src(%arg6 : memref<576x128xf32, #tpu.memory_space<vmem>>) dst(%dma_wait3A_104 : memref<576x128xf32, #tpu.memory_space<hbm>>)
      tpu.yield
    }) : () -> ()
    return
  }
}

module attributes {stable_mosaic.version = 14 : i64} {
  func.func @_vq_body(%arg0: i32, %arg1: memref<2048x64xf32, #tpu.memory_space<vmem>>, %arg2: memref<64x1024xf32, #tpu.memory_space<vmem>>, %arg3: memref<1x1x2048xi32, #tpu.memory_space<vmem>>, %arg4: memref<1x1xf32, #tpu.memory_space<smem>>) attributes {dimension_semantics = [#tpu.dimension_semantics<arbitrary>], iteration_bounds = array<i64: 9>, scalar_prefetch = 0 : i64, scratch_operands = 0 : i64, tpu.core_type = #tpu.core_type<tc>, window_params = [{transform_indices = @transform_0, window_bounds = array<i64: 2048, 64>}, {pipeline_mode = #tpu.pipeline_mode<synchronous>, transform_indices = @transform_1, window_bounds = array<i64: 64, 1024>}, {transform_indices = @transform_2, window_bounds = array<i64: 1, 1, 2048>}, {transform_indices = @transform_3, window_bounds = array<i64: 1, 1>}]} {
    %get3A = arith.constant 0 : index
    %get3A_0 = arith.constant 0 : index
    %get3A_1 = vector.load %arg1[%get3A, %get3A_0] : memref<2048x64xf32, #tpu.memory_space<vmem>>, vector<2048x64xf32>
    %get3A_2 = arith.constant 0 : index
    %get3A_3 = arith.constant 0 : index
    %get3A_4 = vector.load %arg2[%get3A_2, %get3A_3] : memref<64x1024xf32, #tpu.memory_space<vmem>>, vector<64x1024xf32>
    %dot_general3A = arith.constant dense<0.000000e+00> : vector<2048x1024xf32>
    %dot_general3A_5 = tpu.matmul %get3A_1, %get3A_4, %dot_general3A {dimension_numbers = #tpu.dot_dimension_numbers<[1], [0], [0], [1], [0, 0, 1, 1], [], []>, transpose_lhs_hint = false} : vector<2048x64xf32>, vector<64x1024xf32>, vector<2048x1024xf32> -> vector<2048x1024xf32>
    %mul3A = arith.mulf %get3A_1, %get3A_1 : vector<2048x64xf32>
    %reduce_sum3A = arith.constant dense<0.000000e+00> : vector<2048xf32>
    %reduce_sum3A_6 = vector.multi_reduction <add>, %mul3A, %reduce_sum3A [1] : vector<2048x64xf32> to vector<2048xf32>
    %broadcast_in_dim3A = vector.shape_cast %reduce_sum3A_6 : vector<2048xf32> to vector<2048x1xf32>
    %mul3A_7 = arith.mulf %get3A_4, %get3A_4 : vector<64x1024xf32>
    %reduce_sum3A_8 = arith.constant dense<0.000000e+00> : vector<1024xf32>
    %reduce_sum3A_9 = vector.multi_reduction <add>, %mul3A_7, %reduce_sum3A_8 [0] : vector<64x1024xf32> to vector<1024xf32>
    %broadcast_in_dim3A_10 = vector.shape_cast %reduce_sum3A_9 : vector<1024xf32> to vector<1x1024xf32>
    %mul3A_11 = arith.constant 2.500000e-01 : f32
    %mul3A_12 = vector.broadcast %mul3A_11 : f32 to vector<1x1024xf32>
    %mul3A_13 = arith.mulf %mul3A_12, %broadcast_in_dim3A_10 : vector<1x1024xf32>
    %add3A = vector.broadcast %broadcast_in_dim3A : vector<2048x1xf32> to vector<2048x1024xf32>
    %add3A_14 = vector.broadcast %mul3A_13 : vector<1x1024xf32> to vector<2048x1024xf32>
    %add3A_15 = arith.addf %add3A, %add3A_14 : vector<2048x1024xf32>
    %add3A_16 = arith.addf %add3A_15, %dot_general3A_5 : vector<2048x1024xf32>
    %max3A = arith.constant 0.000000e+00 : f32
    %max3A_17 = vector.broadcast %max3A : f32 to vector<2048x1024xf32>
    %max3A_18 = arith.maximumf %add3A_16, %max3A_17 : vector<2048x1024xf32>
    %sqrt3A = math.sqrt %max3A_18 : vector<2048x1024xf32>
    %reduce_min3A = arith.constant dense<0x7F800000> : vector<2048xf32>
    %reduce_min3A_19 = vector.multi_reduction <minimumf>, %sqrt3A, %reduce_min3A [1] : vector<2048x1024xf32> to vector<2048xf32>
    %broadcast_in_dim3A_20 = vector.shape_cast %reduce_min3A_19 : vector<2048xf32> to vector<2048x1xf32>
    %iota3A = tpu.iota {dimensions = array<i32: 1>} : vector<2048x1024xi32>
    %eq3A = vector.broadcast %broadcast_in_dim3A_20 : vector<2048x1xf32> to vector<2048x1024xf32>
    %eq3A_21 = arith.cmpf oeq, %sqrt3A, %eq3A : vector<2048x1024xf32>
    %jit3A = arith.constant 1024 : i32
    %broadcast_in_dim3A_22 = vector.broadcast %jit3A : i32 to vector<2048x1024xi32>
    %select_n3A = arith.select %eq3A_21, %iota3A, %broadcast_in_dim3A_22 : vector<2048x1024xi1>, vector<2048x1024xi32>
    %reduce_min3A_23 = arith.constant dense<2147483647> : vector<2048xi32>
    %reduce_min3A_24 = vector.multi_reduction <minsi>, %select_n3A, %reduce_min3A_23 [1] : vector<2048x1024xi32> to vector<2048xi32>
    %broadcast_in_dim3A_25 = vector.shape_cast %reduce_min3A_24 : vector<2048xi32> to vector<2048x1xi32>
    %squeeze3A = vector.shape_cast %broadcast_in_dim3A_25 : vector<2048x1xi32> to vector<2048xi32>
    %swap3A = arith.constant 0 : index
    %swap3A_26 = arith.constant 0 : index
    %swap3A_27 = arith.constant 0 : index
    %swap3A_28 = vector.load %arg3[%swap3A, %swap3A_26, %swap3A_27] : memref<1x1x2048xi32, #tpu.memory_space<vmem>>, vector<1x1x2048xi32>
    %swap3A_29 = vector.shape_cast %swap3A_28 : vector<1x1x2048xi32> to vector<2048xi32>
    %swap3A_30 = vector.shape_cast %squeeze3A : vector<2048xi32> to vector<1x1x2048xi32>
    tpu.vector_store %arg3[%swap3A, %swap3A_26, %swap3A_27], %swap3A_30 {strides = array<i32>} : memref<1x1x2048xi32, #tpu.memory_space<vmem>>, vector<1x1x2048xi32>,
    %shift_right_arithmetic3A = arith.constant 5 : i32
    %shift_right_arithmetic3A_31 = vector.broadcast %shift_right_arithmetic3A : i32 to vector<2048x1xi32>
    %shift_right_arithmetic3A_32 = arith.shrsi %broadcast_in_dim3A_25, %shift_right_arithmetic3A_31 : vector<2048x1xi32>
    %and3A = arith.constant 31 : i32
    %and3A_33 = vector.broadcast %and3A : i32 to vector<2048x1xi32>
    %and3A_34 = arith.andi %broadcast_in_dim3A_25, %and3A_33 : vector<2048x1xi32>
    %broadcast_in_dim3A_35 = arith.constant -1 : i32
    %broadcast_in_dim3A_36 = vector.broadcast %broadcast_in_dim3A_35 : i32 to vector<2048x1xi32>
    %lt3A = arith.constant 31 : i32
    %lt3A_37 = vector.broadcast %lt3A : i32 to vector<2048x1xi32>
    %lt3A_38 = arith.cmpi slt, %shift_right_arithmetic3A_32, %lt3A_37 : vector<2048x1xi32>
    %add3A_39 = arith.constant 32 : i32
    %add3A_40 = vector.broadcast %add3A_39 : i32 to vector<2048x1xi32>
    %add3A_41 = arith.addi %broadcast_in_dim3A_25, %add3A_40 : vector<2048x1xi32>
    %select_n3A_42 = arith.select %lt3A_38, %add3A_41, %broadcast_in_dim3A_36 : vector<2048x1xi1>, vector<2048x1xi32>
    %gt3A = arith.constant 0 : i32
    %gt3A_43 = vector.broadcast %gt3A : i32 to vector<2048x1xi32>
    %gt3A_44 = arith.cmpi sgt, %shift_right_arithmetic3A_32, %gt3A_43 : vector<2048x1xi32>
    %sub3A = arith.constant 32 : i32
    %sub3A_45 = vector.broadcast %sub3A : i32 to vector<2048x1xi32>
    %sub3A_46 = arith.subi %broadcast_in_dim3A_25, %sub3A_45 : vector<2048x1xi32>
    %select_n3A_47 = arith.select %gt3A_44, %sub3A_46, %broadcast_in_dim3A_36 : vector<2048x1xi1>, vector<2048x1xi32>
    %lt3A_48 = arith.constant 31 : i32
    %lt3A_49 = vector.broadcast %lt3A_48 : i32 to vector<2048x1xi32>
    %lt3A_50 = arith.cmpi slt, %and3A_34, %lt3A_49 : vector<2048x1xi32>
    %add3A_51 = arith.constant 1 : i32
    %add3A_52 = vector.broadcast %add3A_51 : i32 to vector<2048x1xi32>
    %add3A_53 = arith.addi %broadcast_in_dim3A_25, %add3A_52 : vector<2048x1xi32>
    %select_n3A_54 = arith.select %lt3A_50, %add3A_53, %broadcast_in_dim3A_36 : vector<2048x1xi1>, vector<2048x1xi32>
    %gt3A_55 = arith.constant 0 : i32
    %gt3A_56 = vector.broadcast %gt3A_55 : i32 to vector<2048x1xi32>
    %gt3A_57 = arith.cmpi sgt, %and3A_34, %gt3A_56 : vector<2048x1xi32>
    %sub3A_58 = arith.constant 1 : i32
    %sub3A_59 = vector.broadcast %sub3A_58 : i32 to vector<2048x1xi32>
    %sub3A_60 = arith.subi %broadcast_in_dim3A_25, %sub3A_59 : vector<2048x1xi32>
    %select_n3A_61 = arith.select %gt3A_57, %sub3A_60, %broadcast_in_dim3A_36 : vector<2048x1xi1>, vector<2048x1xi32>
    %eq3A_62 = vector.broadcast %broadcast_in_dim3A_25 : vector<2048x1xi32> to vector<2048x1024xi32>
    %eq3A_63 = arith.cmpi eq, %iota3A, %eq3A_62 : vector<2048x1024xi32>
    %eq3A_64 = vector.broadcast %select_n3A_42 : vector<2048x1xi32> to vector<2048x1024xi32>
    %eq3A_65 = arith.cmpi eq, %iota3A, %eq3A_64 : vector<2048x1024xi32>
    %or3A = arith.ori %eq3A_63, %eq3A_65 : vector<2048x1024xi1>
    %eq3A_66 = vector.broadcast %select_n3A_47 : vector<2048x1xi32> to vector<2048x1024xi32>
    %eq3A_67 = arith.cmpi eq, %iota3A, %eq3A_66 : vector<2048x1024xi32>
    %or3A_68 = arith.ori %or3A, %eq3A_67 : vector<2048x1024xi1>
    %eq3A_69 = vector.broadcast %select_n3A_54 : vector<2048x1xi32> to vector<2048x1024xi32>
    %eq3A_70 = arith.cmpi eq, %iota3A, %eq3A_69 : vector<2048x1024xi32>
    %or3A_71 = arith.ori %or3A_68, %eq3A_70 : vector<2048x1024xi1>
    %eq3A_72 = vector.broadcast %select_n3A_61 : vector<2048x1xi32> to vector<2048x1024xi32>
    %eq3A_73 = arith.cmpi eq, %iota3A, %eq3A_72 : vector<2048x1024xi32>
    %or3A_74 = arith.ori %or3A_71, %eq3A_73 : vector<2048x1024xi1>
    %broadcast_in_dim3A_75 = arith.constant 0.000000e+00 : f32
    %broadcast_in_dim3A_76 = vector.broadcast %broadcast_in_dim3A_75 : f32 to vector<2048x1024xf32>
    %select_n3A_77 = arith.select %or3A_74, %max3A_18, %broadcast_in_dim3A_76 : vector<2048x1024xi1>, vector<2048x1024xf32>
    %reduce_sum3A_78 = arith.constant dense<0.000000e+00> : vector<2048xf32>
    %reduce_sum3A_79 = vector.multi_reduction <add>, %select_n3A_77, %reduce_sum3A_78 [1] : vector<2048x1024xf32> to vector<2048xf32>
    %broadcast_in_dim3A_80 = vector.shape_cast %reduce_sum3A_79 : vector<2048xf32> to vector<2048x1xf32>
    %lt3A_81 = arith.constant 31 : i32
    %lt3A_82 = vector.broadcast %lt3A_81 : i32 to vector<2048x1xi32>
    %lt3A_83 = arith.cmpi slt, %shift_right_arithmetic3A_32, %lt3A_82 : vector<2048x1xi32>
    %convert_element_type3A = arith.extui %lt3A_83 : vector<2048x1xi1> to vector<2048x1xi32>
    %convert_element_type3A_84 = arith.sitofp %convert_element_type3A : vector<2048x1xi32> to vector<2048x1xf32>
    %add3A_85 = arith.constant 1.000000e+00 : f32
    %add3A_86 = vector.broadcast %add3A_85 : f32 to vector<2048x1xf32>
    %add3A_87 = arith.addf %add3A_86, %convert_element_type3A_84 : vector<2048x1xf32>
    %gt3A_88 = arith.constant 0 : i32
    %gt3A_89 = vector.broadcast %gt3A_88 : i32 to vector<2048x1xi32>
    %gt3A_90 = arith.cmpi sgt, %shift_right_arithmetic3A_32, %gt3A_89 : vector<2048x1xi32>
    %convert_element_type3A_91 = arith.extui %gt3A_90 : vector<2048x1xi1> to vector<2048x1xi32>
    %convert_element_type3A_92 = arith.sitofp %convert_element_type3A_91 : vector<2048x1xi32> to vector<2048x1xf32>
    %add3A_93 = arith.addf %add3A_87, %convert_element_type3A_92 : vector<2048x1xf32>
    %lt3A_94 = arith.constant 31 : i32
    %lt3A_95 = vector.broadcast %lt3A_94 : i32 to vector<2048x1xi32>
    %lt3A_96 = arith.cmpi slt, %and3A_34, %lt3A_95 : vector<2048x1xi32>
    %convert_element_type3A_97 = arith.extui %lt3A_96 : vector<2048x1xi1> to vector<2048x1xi32>
    %convert_element_type3A_98 = arith.sitofp %convert_element_type3A_97 : vector<2048x1xi32> to vector<2048x1xf32>
    %add3A_99 = arith.addf %add3A_93, %convert_element_type3A_98 : vector<2048x1xf32>
    %gt3A_100 = arith.constant 0 : i32
    %gt3A_101 = vector.broadcast %gt3A_100 : i32 to vector<2048x1xi32>
    %gt3A_102 = arith.cmpi sgt, %and3A_34, %gt3A_101 : vector<2048x1xi32>
    %convert_element_type3A_103 = arith.extui %gt3A_102 : vector<2048x1xi1> to vector<2048x1xi32>
    %convert_element_type3A_104 = arith.sitofp %convert_element_type3A_103 : vector<2048x1xi32> to vector<2048x1xf32>
    %add3A_105 = arith.addf %add3A_99, %convert_element_type3A_104 : vector<2048x1xf32>
    %mul3A_106 = arith.mulf %broadcast_in_dim3A_20, %broadcast_in_dim3A_20 : vector<2048x1xf32>
    %reduce_sum3A_107 = vector.shape_cast %mul3A_106 : vector<2048x1xf32> to vector<1x2048x1xf32>
    %reduce_sum3A_108 = arith.constant dense<0.000000e+00> : vector<1xf32>
    %reduce_sum3A_109 = vector.multi_reduction <add>, %reduce_sum3A_107, %reduce_sum3A_108 [1, 2] : vector<1x2048x1xf32> to vector<1xf32>
    %reduce_sum3A_110 = vector.shape_cast %reduce_sum3A_109 : vector<1xf32> to vector<1x1x1xf32>
    %reduce_sum3A_111 = vector.extract %reduce_sum3A_110[0, 0, 0] : f32 from vector<1x1x1xf32>
    %sub3A_112 = arith.constant 5.000000e+00 : f32
    %sub3A_113 = vector.broadcast %sub3A_112 : f32 to vector<2048x1xf32>
    %sub3A_114 = arith.subf %sub3A_113, %add3A_105 : vector<2048x1xf32>
    %mul3A_115 = arith.mulf %sub3A_114, %broadcast_in_dim3A : vector<2048x1xf32>
    %add3A_116 = arith.addf %broadcast_in_dim3A_80, %mul3A_115 : vector<2048x1xf32>
    %reduce_sum3A_117 = vector.shape_cast %add3A_116 : vector<2048x1xf32> to vector<1x2048x1xf32>
    %reduce_sum3A_118 = arith.constant dense<0.000000e+00> : vector<1xf32>
    %reduce_sum3A_119 = vector.multi_reduction <add>, %reduce_sum3A_117, %reduce_sum3A_118 [1, 2] : vector<1x2048x1xf32> to vector<1xf32>
    %reduce_sum3A_120 = vector.shape_cast %reduce_sum3A_119 : vector<1xf32> to vector<1x1x1xf32>
    %reduce_sum3A_121 = vector.extract %reduce_sum3A_120[0, 0, 0] : f32 from vector<1x1x1xf32>
    %mul3A_122 = arith.constant 2.71267368E-7 : f32
    %mul3A_123 = arith.mulf %mul3A_122, %reduce_sum3A_111 : f32
    %mul3A_124 = arith.constant 2.03450526E-7 : f32
    %mul3A_125 = arith.mulf %mul3A_124, %reduce_sum3A_121 : f32
    %add3A_126 = arith.addf %mul3A_123, %mul3A_125 : f32
    %eq3A_127 = arith.constant 0 : i32
    %eq3A_128 = arith.cmpi eq, %arg0, %eq3A_127 : i32
    %convert_element_type3A_129 = arith.extui %eq3A_128 : i1 to i32
    %cond3A = arith.constant 0 : i32
    %cond3A_130 = arith.cmpi ne, %convert_element_type3A_129, %cond3A : i32
    scf.if %cond3A_130 {
      %swap3A_138 = arith.constant 0.000000e+00 : f32
      %swap3A_139 = arith.constant 0 : index
      %swap3A_140 = arith.constant 0 : index
      %swap3A_141 = memref.load %arg4[%swap3A_139, %swap3A_140] : memref<1x1xf32, #tpu.memory_space<smem>>
      memref.store %swap3A_138, %arg4[%swap3A_139, %swap3A_140] : memref<1x1xf32, #tpu.memory_space<smem>>
    } else {
    }
    %get3A_131 = arith.constant 0 : index
    %get3A_132 = arith.constant 0 : index
    %get3A_133 = memref.load %arg4[%get3A_131, %get3A_132] : memref<1x1xf32, #tpu.memory_space<smem>>
    %add3A_134 = arith.addf %get3A_133, %add3A_126 : f32
    %swap3A_135 = arith.constant 0 : index
    %swap3A_136 = arith.constant 0 : index
    %swap3A_137 = memref.load %arg4[%swap3A_135, %swap3A_136] : memref<1x1xf32, #tpu.memory_space<smem>>
    memref.store %add3A_134, %arg4[%swap3A_135, %swap3A_136] : memref<1x1xf32, #tpu.memory_space<smem>>
    return
  }
  func.func @transform_0(%arg0: i32) -> (i32, i32) {
    %c0_i32 = arith.constant 0 : i32
    %c0_i32_0 = arith.constant 0 : i32
    return %arg0, %c0_i32 : i32, i32
  }
  func.func @transform_1(%arg0: i32) -> (i32, i32) {
    %c0_i32 = arith.constant 0 : i32
    %c0_i32_0 = arith.constant 0 : i32
    %c0_i32_1 = arith.constant 0 : i32
    return %c0_i32, %c0_i32_0 : i32, i32
  }
  func.func @transform_2(%arg0: i32) -> (i32, i32, i32) {
    %c0_i32 = arith.constant 0 : i32
    %c0_i32_0 = arith.constant 0 : i32
    %c0_i32_1 = arith.constant 0 : i32
    return %arg0, %c0_i32, %c0_i32_0 : i32, i32, i32
  }
  func.func @transform_3(%arg0: i32) -> (i32, i32) {
    %c0_i32 = arith.constant 0 : i32
    %c0_i32_0 = arith.constant 0 : i32
    %c0_i32_1 = arith.constant 0 : i32
    return %c0_i32, %c0_i32_0 : i32, i32
  }
}

module attributes {stable_mosaic.version = 14 : i64} {
  func.func @_proj_body(%arg0: i32, %arg1: memref<512x768xf32, #tpu.memory_space<vmem>>, %arg2: memref<768x64xf32, #tpu.memory_space<vmem>>, %arg3: memref<1x64xf32, #tpu.memory_space<vmem>>, %arg4: memref<512x64xf32, #tpu.memory_space<vmem>>) attributes {dimension_semantics = [#tpu.dimension_semantics<arbitrary>], iteration_bounds = array<i64: 36>, scalar_prefetch = 0 : i64, scratch_operands = 0 : i64, tpu.core_type = #tpu.core_type<tc>, window_params = [{transform_indices = @transform_0, window_bounds = array<i64: 512, 768>}, {pipeline_mode = #tpu.pipeline_mode<synchronous>, transform_indices = @transform_1, window_bounds = array<i64: 768, 64>}, {pipeline_mode = #tpu.pipeline_mode<synchronous>, transform_indices = @transform_2, window_bounds = array<i64: 1, 64>}, {transform_indices = @transform_3, window_bounds = array<i64: 512, 64>}]} {
    %get3A = arith.constant 0 : index
    %get3A_0 = arith.constant 0 : index
    %get3A_1 = vector.load %arg1[%get3A, %get3A_0] : memref<512x768xf32, #tpu.memory_space<vmem>>, vector<512x768xf32>
    %get3A_2 = arith.constant 0 : index
    %get3A_3 = arith.constant 0 : index
    %get3A_4 = vector.load %arg2[%get3A_2, %get3A_3] : memref<768x64xf32, #tpu.memory_space<vmem>>, vector<768x64xf32>
    %dot_general3A = arith.constant dense<0.000000e+00> : vector<512x64xf32>
    %dot_general3A_5 = tpu.matmul %get3A_1, %get3A_4, %dot_general3A {dimension_numbers = #tpu.dot_dimension_numbers<[1], [0], [0], [1], [0, 0, 1, 1], [], []>, transpose_lhs_hint = false} : vector<512x768xf32>, vector<768x64xf32>, vector<512x64xf32> -> vector<512x64xf32>
    %get3A_6 = arith.constant 0 : index
    %get3A_7 = arith.constant 0 : index
    %get3A_8 = vector.load %arg3[%get3A_6, %get3A_7] : memref<1x64xf32, #tpu.memory_space<vmem>>, vector<1x64xf32>
    %add3A = vector.broadcast %get3A_8 : vector<1x64xf32> to vector<512x64xf32>
    %add3A_9 = arith.addf %dot_general3A_5, %add3A : vector<512x64xf32>
    %swap3A = arith.constant 0 : index
    %swap3A_10 = arith.constant 0 : index
    %swap3A_11 = vector.load %arg4[%swap3A, %swap3A_10] : memref<512x64xf32, #tpu.memory_space<vmem>>, vector<512x64xf32>
    tpu.vector_store %arg4[%swap3A, %swap3A_10], %add3A_9 {strides = array<i32>} : memref<512x64xf32, #tpu.memory_space<vmem>>, vector<512x64xf32>,
    return
  }
  func.func @transform_0(%arg0: i32) -> (i32, i32) {
    %c0_i32 = arith.constant 0 : i32
    %c0_i32_0 = arith.constant 0 : i32
    return %arg0, %c0_i32 : i32, i32
  }
  func.func @transform_1(%arg0: i32) -> (i32, i32) {
    %c0_i32 = arith.constant 0 : i32
    %c0_i32_0 = arith.constant 0 : i32
    %c0_i32_1 = arith.constant 0 : i32
    return %c0_i32, %c0_i32_0 : i32, i32
  }
  func.func @transform_2(%arg0: i32) -> (i32, i32) {
    %c0_i32 = arith.constant 0 : i32
    %c0_i32_0 = arith.constant 0 : i32
    %c0_i32_1 = arith.constant 0 : i32
    return %c0_i32, %c0_i32_0 : i32, i32
  }
  func.func @transform_3(%arg0: i32) -> (i32, i32) {
    %c0_i32 = arith.constant 0 : i32
    %c0_i32_0 = arith.constant 0 : i32
    return %arg0, %c0_i32 : i32, i32
  }
}

</mosaic_0001>

<sc_bundles>
// kernel: kernel.5.cloned.1.call-start
scs
__scs_entry_jumppad:
0x0: {  	(pc) =	sbr.rel $0x88, $3  }
0x1: {  	(tag) =	ssettag $0x0;
	lr =	simm.s32 $0x1  }
0x2: {  	[smem:$0x3F9D] =	sst lr;
	_ =	strace $0xD0000000  }
0x3: {  	_ = 	snop  }
0x4: {  	_ = 	snop  }
0x5: {  	_ = 	snop  }
0x6: {  	_ = 	snop  }
0x7: {  	_ = 	snop  }
__scs_overlays_trampoline_lowered:
0x8: {  	[smem:$0x3FAC] =	sst s0  }
0x9: {  	[smem:$0x3FAD] =	sst s1  }
0xa: {  	[smem:$0x3FAE] =	sst s2  }
0xb: {  	[smem:$0x3FAF] =	sst s3  }
0xc: {  	[smem:$0x3FB0] =	sst s4  }
0xd: {  	[smem:$0x3FB1] =	sst s5  }
0xe: {  	[smem:$0x3FB2] =	sst s6  }
0xf: {  	[smem:$0x3FB3] =	sst s7  }
0x10: {  	[smem:$0x3FB4] =	sst s8  }
0x11: {  	[smem:$0x3FB5] =	sst s9;
	s0 =	simm.s32 @!p0 $0x0  }
0x12: {  	s1 =	sld [smem:$0x3F9B];
	s0 =	simm.s32 @p0 $0x1  }
0x13: {  	[smem:$0x3FB6] =	sst s0;
	s0 =	simm.s32 @!p1 $0x0  }
0x14: {  	s2 =	sld [smem:$0x3F9A];
	s0 =	simm.s32 @p1 $0x1  }
0x15: {  	[smem:$0x3FB7] =	sst s0;
	s0 =	simm.s32 @!p2 $0x0  }
0x16: {  	s3 =	sld [smem:$0x3FDB];
	s0 =	simm.s32 @p2 $0x1  }
0x17: {  	s4 =	simm.s32 $0x1BF5;
	[smem:$0x3FB9] =	sst s0  }
0x18: {  	s0 =	sld [smem:$0x3F9C];
	_ =	swait.ge [sflag:s4], $0x0  }
0x19: {  	s7 =	sld [smem:$0x3F9D]  }
0x1a: {  	s8 =	sadd.s32 $0xFFFFE003, lr  }
0x1b: {  	s9 =	sadd.s32 $0xFFFFFEF7, lr;
	s5 =	simm.s32 $0xFFFFFFFF;
	p2 =	slt.u32 s8, $0xFFFFF086  }
0x1c: {  	p1 =	slt.u32 s9, $0xF7A;
	s5 =	simm.s32 @!p2 $0x0  }
0x1d: {  	s5 =	simm.s32 @p1 $0x1;
	p0 =	seq.s32 s7, s2  }
0x1e: {  	s7 =	smul.u32 @!p0 $0xF7A, s2;
	p2 =	seq.s32 @!p0 s5, $0x0  }
0x1f: {  	s9 =	smul.u32 $0xF7A, s1;
	s8 =	simm.s32 @!p0 $0x1BF5;
	p2 =	por !p2, p0  }
0x20: {  	[sflag:s8] =	ssyncset.s32 @!p0 $0xFFFFF086;
	s6 =	sadd.s32 @!p0 s3, s7;
	s7 =	simm.s32 @!p0 $0x108  }
0x21: {  	s3 =	sadd.s32 s3, s9;
	s6 =	sadd.s32 @!p0 $0x88, s6;
	s7 =	simm.s32 @p2 $0x1082  }
0x22: {  	[simem:s7], [sflag:s8] =	dma.local @!p0 [hbm:s6], $0xF7A  }
0x23: {  	s9 =	sor.u32 $0xD0000000, s2;
	s6 =	simm.s32 $0x108;
	_ =	swait.ge @!p0 [sflag:s8], $0x0  }
0x24: {  	s3 =	sadd.s32 $0x88, s3;
	s6 =	simm.s32 @!p1 $0x1082;
	[sflag:s4] =	ssyncset.s32 $0xFFFFF086  }
0x25: {  	[simem:s6], [sflag:s4] =	dma.local [hbm:s3], $0xF7A  }
0x26: {  	[smem:$0x3F9D] =	sst s1;
	(tag) =	ssettag s2;
	_ =	strace s9  }
0x27: {  	s1 =	sld [smem:$0x3FAD]  }
0x28: {  	s2 =	sld [smem:$0x3FAE]  }
0x29: {  	s4 =	sld [smem:$0x3FB0]  }
0x2a: {  	p0 =	seq.s32 s5, $0x0;
	s5 =	sld [smem:$0x3FB1]  }
0x2b: {  	s6 =	sld [smem:$0x3FB2]  }
0x2c: {  	s7 =	sld [smem:$0x3FB3]  }
0x2d: {  	s3 =	simm.s32 $0x108;
	s8 =	sld [smem:$0x3FB4]  }
0x2e: {  	s3 =	simm.s32 @!p0 $0x1082;
	s9 =	sld [smem:$0x3FB5]  }
0x2f: {  	lr =	sadd.s32 s0, s3;
	s0 =	sld [smem:$0x3FAC]  }
0x30: {  	s3 =	sld [smem:$0x3FAF]  }
0x31: {  	[smem:$0x3FB8] =	sst s10  }
0x32: {  	s10 =	sld [smem:$0x3FB6];
	_ =	sdelay $0x3  }
0x33: {  	p0 =	seq.s32 s10, $0x1;
	s10 =	sld [smem:$0x3FB8];
	_ =	sdelay $0x3  }
0x34: {  	[smem:$0x3FB8] =	sst s10  }
0x35: {  	s10 =	sld [smem:$0x3FB7];
	_ =	sdelay $0x3  }
0x36: {  	p1 =	seq.s32 s10, $0x1;
	s10 =	sld [smem:$0x3FB8];
	_ =	sdelay $0x3  }
0x37: {  	[smem:$0x3FB8] =	sst s10  }
0x38: {  	s10 =	sld [smem:$0x3FB9]  }
0x39: {  	_ = 	snop;
	(pc) =	sbr.ind lr, $3  }
0x3a: {  	_ = 	snop  }
0x3b: {  	_ = 	snop  }
0x3c: {  	p2 =	seq.s32 s10, $0x1;
	s10 =	sld [smem:$0x3FB8]  }
0x3d: {  	_ =	shalt  }
0x3e: {  	_ =	shalt  }
0x3f: {  	_ =	shalt  }
0x40: {  	_ =	shalt  }
0x41: {  	_ =	shalt  }
0x42: {  	_ =	shalt  }
0x43: {  	_ =	shalt  }
0x44: {  	_ =	shalt  }
0x45: {  	_ =	shalt  }
0x46: {  	_ =	shalt  }
0x47: {  	_ =	shalt  }
0x48: {  	_ =	shalt  }
0x49: {  	_ =	shalt  }
0x4a: {  	_ =	shalt  }
0x4b: {  	_ =	shalt  }
0x4c: {  	_ =	shalt  }
0x4d: {  	_ =	shalt  }
0x4e: {  	_ =	shalt  }
0x4f: {  	_ =	shalt  }
0x50: {  	_ =	shalt  }
0x51: {  	_ =	shalt  }
0x52: {  	_ =	shalt  }
0x53: {  	_ =	shalt  }
0x54: {  	_ =	shalt  }
0x55: {  	_ =	shalt  }
0x56: {  	_ =	shalt  }
0x57: {  	_ =	shalt  }
0x58: {  	_ =	shalt  }
0x59: {  	_ =	shalt  }
0x5a: {  	_ =	shalt  }
0x5b: {  	_ =	shalt  }
0x5c: {  	_ =	shalt  }
0x5d: {  	_ =	shalt  }
0x5e: {  	_ =	shalt  }
0x5f: {  	_ =	shalt  }
0x60: {  	_ =	shalt  }
0x61: {  	_ =	shalt  }
0x62: {  	_ =	shalt  }
0x63: {  	_ =	shalt  }
0x64: {  	_ =	shalt  }
0x65: {  	_ =	shalt  }
0x66: {  	_ =	shalt  }
0x67: {  	_ =	shalt  }
0x68: {  	_ =	shalt  }
0x69: {  	_ =	shalt  }
0x6a: {  	_ =	shalt  }
0x6b: {  	_ =	shalt  }
0x6c: {  	_ =	shalt  }
0x6d: {  	_ =	shalt  }
0x6e: {  	_ =	shalt  }
0x6f: {  	_ =	shalt  }
0x70: {  	_ =	shalt  }
0x71: {  	_ =	shalt  }
0x72: {  	_ =	shalt  }
0x73: {  	_ =	shalt  }
0x74: {  	_ =	shalt  }
0x75: {  	_ =	shalt  }
0x76: {  	_ =	shalt  }
0x77: {  	_ =	shalt  }
0x78: {  	_ =	shalt  }
0x79: {  	_ =	shalt  }
0x7a: {  	_ =	shalt  }
0x7b: {  	_ =	shalt  }
0x7c: {  	_ =	shalt  }
0x7d: {  	_ =	shalt  }
0x7e: {  	_ =	shalt  }
0x7f: {  	_ =	shalt  }
0x80: {  	_ =	shalt  }
0x81: {  	_ =	shalt  }
0x82: {  	_ =	shalt  }
0x83: {  	_ =	shalt  }
0x84: {  	_ =	shalt  }
0x85: {  	_ =	shalt  }
0x86: {  	_ =	shalt  }
0x87: {  	_ =	shalt  }
.Lfunc_end0:
.L_simem_size_0:
called_computation_lowered:
.L_overlay_start_0:
0x88: {  	s2 =	sld [smem:$0x3FD9]  }
0x89: {  	s3 =	sld [smem:$0x3FFE];
	_ =	sdelay $0x1  }
0x8a: {  	s1 =	srdreg.scid  }
0x8b: {  	s0 =	sand.u32 $0x1, s1  }
0x8c: {  	s14 =	sshll.u32 s0, $0xA;
	s2 =	sadd.s32 s3, s2  }
0x8d: {  	s2 =	sadd.s32 s2, s14  }
0x8e: {  	[smem:$0x3FC4] =	sst s2  }
0x8f: {  	_ = 	snop  }
0x90: {  	s2 =	sld [smem:$0x3FD0];
	_ =	sdelay $0x2  }
0x91: {  	s15 =	simm.s32 $0xA;
	s4 =	simm.s32 $0x10  }
0x92: {  	[smem:s4], [sflag:s15] =	dma.local [hbm:s2], $0x1  }
0x93: {  	_ =	swait.eq [sflag:s15], $0x1  }
0x94: {  	[sflag:s15] =	ssyncset.done $0x0  }
0x95: {  	s16 =	sld [smem:$0x10];
	[sflag:s15] =	ssyncadd.s32 $0xFFFFFFFF  }
0x96: {  	s17 =	sld [smem:$0x13];
	(tm) =	ssettm $0x1  }
0x97: {  	s18 =	sld [smem:$0x3FFB];
	_ =	sdelay $0x3  }
0x98: {  	_ =	strace s18  }
0x99: {  	s4 =	sld [smem:$0x3FFC];
	_ =	sdelay $0x3  }
0x9a: {  	_ =	strace s4  }
0x9b: {  	s4 =	sld [smem:$0x3FFD];
	_ =	sdelay $0x3  }
0x9c: {  	_ =	strace s4  }
0x9d: {  	_ =	strace $0x8FFFFFFF  }
0x9e: {  	s19 =	sld [smem:$0x3FDB];
	_ =	sdelay $0x1  }
0x9f: {  	s5 =	simm.s32 $_scs_section_size  }
0xa0: {  	s6 =	simm.s32 $_size__tile_overlayer_lowered;
	s7 =	simm.s32 $_tile_overlayer_lowered  }
0xa1: {  	s22 =	simm.s32 $0x1BFF;
	s21 =	sshll.u32 s7, $0x1;
	s4 =	sadd.s32 s5, s19  }
0xa2: {  	s8 =	simm.s32 $0x0;
	s20 =	sshll.u32 s6, $0x1;
	s6 =	sadd.s32 s21, s4  }
0xa3: {  	[timem:s8], [sflag:s22] =	dma.local [hbm:s6], s20  }
0xa4: {  	_ =	swait.ge [sflag:s22], s20  }
0xa5: {  	s5 =	ssub.s32 $0x0, s20;
	[sflag:s22] =	ssyncset.done $0x0  }
0xa6: {  	[sflag:s22] =	ssyncadd.s32 s5;
	_ =	sdelay $0x1  }
0xa7: {  	s23 =	simm.s32 $0x1B8B  }
0xa8: {  	_ =	swait.ge [sflag:s23], $0x1  }
0xa9: {  	[sflag:s23] =	ssyncset.done $0x0  }
0xaa: {  	s25 =	simm.s32 $0x1B8E;
	s24 =	sld [smem:$0x3FFE];
	[sflag:s23] =	ssyncadd.s32 $0xFFFFFFFF  }
0xab: {  	s26 =	simm.s32 $execute0_lowered;
	[smem:$0x3FD2] =	sst s25  }
0xac: {  	s6 =	sshll.u32 s26, $0x1;
	_ =	strace $0x80000046;
	[dreg:$0x1] =	wrdreg $0xFFFFFFFF  }
0xad: {  	s28 =	simm.s32 $_size_execute0_lowered;
	s4 =	sadd.s32 s4, s6;
	[dreg:$0x0] =	wrdreg $0x0  }
0xae: {  	s6 =	sshll.u32 s28, $0x1;
	[dreg:$0x2] =	wrdreg s4  }
0xaf: {  	[dreg:$0x3] =	wrdreg s6  }
0xb0: {  	[dreg:$0x4] =	wrdreg $0xC0  }
0xb1: {  	_ =	task [dreg:s8], $0x5FFFF  }
0xb2: {  	[dreg:$0x1] =	wrdreg $0xFFFFFFFF  }
0xb3: {  	[dreg:$0x0] =	wrdreg $0x60  }
0xb4: {  	[dreg:$0x2] =	wrdreg s17  }
0xb5: {  	[dreg:$0x3] =	wrdreg s16  }
0xb6: {  	[dreg:$0x4] =	wrdreg s24  }
0xb7: {  	[dreg:$0x5] =	wrdreg $0x9  }
0xb8: {  	_ =	task.clear_ibuf [dreg:s8], $0x6FFFF;
	_ =	strace $0x90000046  }
0xb9: {  	s29 =	simm.s32 $0x9;
	_ =	strace $0x80000048  }
0xba: {  	_ =	swait.ge [sflag:s29], $0x1  }
0xbb: {  	[sflag:s29] =	ssyncadd.s32 $0xFFFFFFFF  }
0xbc: {  	_ =	strace $0x90000048  }
0xbd: {  	_ =	sfence  }
0xbe: {  	s30 =	sld [smem:$0x0];
	_ =	sdelay $0x2  }
0xbf: {  	s31 =	sshll.u32 s1, $0xD;
	s1 =	sshrl.u32 s1, $0x2  }
0xc0: {  	s3 =	sand.u32 $0x4000, s31;
	s1 =	sadd.s32 s1, s30  }
0xc1: {  	s0 =	sor.u32 s3, s0;
	s1 =	sshll.u32 s1, $0x11  }
0xc2: {  	s0 =	sor.u32 s1, s0  }
0xc3: {  	s0 =	sadd.s32 $0x8F2B, s0  }
0xc4: {  	[sflag:s0] =	ssyncadd.remote.s32 $0x1  }
0xc5: {  	_ =	sfence.sel $0xFFFF  }
0xc6: {  	[dreg:$0x0] =	wrdreg $0xFFFFFFFF;
	(pc) =	sbr.abs _section_cstart, $3  }
0xc7: {  	[dreg:$0x1] =	wrdreg $0xFFFFFFFF  }
0xc8: {  	_ =	task.clear_ibuf [dreg:s8], $0x2FFFF;
	_ =	strace $0x9FFFFFFF  }
0xc9: {  	(tm) =	ssettm $0x7FFFFFFF  }
tec
execute0_lowered:
.L_overlay_start_1:
0x0: {  	(tag) =	ssettag $0x1  }
0x1: {  	s1 =	rddreg [dreg:$0x0]  }
0x2: {  	s2 =	srdreg.scid;
	s0 =	stileid.u32  }
0x3: {  	s4 =	rddreg [dreg:$0x1];
	s18 =	sand.u32 $0x1, s2;
	s29 =	sshll.u32 s0, $0x1  }
0x4: {  	s19 =	rddreg [dreg:$0x2];
	s20 =	sor.u32 s18, s29  }
0x5: {  	s3 =	simm.s32 $0x0;
	s2 =	rddreg [dreg:$0x3];
	s5 =	smul.u32 $0x48, s20  }
0x6: {  	[smem:$0x7FF] =	sst s3  }
0x7: {  	_ =	strace $0x80000047;
	s5 =	sadd.s32 s4, s5;
	s4 =	simm.s32 $0x2  }
0x8: {  	[tilespmem:s3], [sflag:$0x2] =	stream.linear.gather [hbm4b:s5+s3], $0x240, $0x38;
	[tilespmem:$0x12280] =	vst v63  }
0x9: {  	_ =	swait.ge [sflag:s4], $0x240  }
0xa: {  	[sflag:s4] =	ssyncset.done $0x0  }
0xb: {  	s6 =	simm.s32 $0x60;
	s7 =	simm.s32 $0x280;
	[sflag:s4] =	ssyncadd.s32 $0xFFFFFDC0  }
0xc: {  	[tilespmem:s7], [sflag:$0x1] =	stream.indirect.gather [hbm4b:s1+s6], $0x80, s3, s6, $0xb8;
	[tilespmem:$0x12280] =	vst v63  }
0xd: {  	s8 =	simm.s32 $0x3280  }
0xe: {  	[tilespmem:s8], [sflag:$0x1] =	stream.indirect.gather [hbm4b:s1+s6], $0x80, s6, s6, $0xb8;
	[tilespmem:$0x12280] =	vst v63  }
0xf: {  	s9 =	simm.s32 $0xC0;
	s10 =	simm.s32 $0x6280  }
0x10: {  	[tilespmem:s10], [sflag:$0x1] =	stream.indirect.gather [hbm4b:s1+s6], $0x80, s9, s6, $0xb8;
	[tilespmem:$0x12280] =	vst v63  }
0x11: {  	s11 =	simm.s32 $0x120;
	s12 =	simm.s32 $0x9280  }
0x12: {  	[tilespmem:s12], [sflag:$0x1] =	stream.indirect.gather [hbm4b:s1+s6], $0x80, s11, s6, $0xb8;
	[tilespmem:$0x12280] =	vst v63  }
0x13: {  	s13 =	simm.s32 $0x180;
	s14 =	simm.s32 $0xC280  }
0x14: {  	[tilespmem:s14], [sflag:$0x1] =	stream.indirect.gather [hbm4b:s1+s6], $0x80, s13, s6, $0xb8;
	[tilespmem:$0x12280] =	vst v63  }
0x15: {  	s15 =	simm.s32 $0x1E0;
	s16 =	simm.s32 $0xF280;
	s17 =	simm.s32 $0x1  }
0x16: {  	[tilespmem:s16], [sflag:$0x1] =	stream.indirect.gather [hbm4b:s1+s6], $0x80, s15, s6, $0xb8;
	[tilespmem:$0x12280] =	vst v63  }
0x17: {  	_ =	swait.ge [sflag:s17], $0x3000  }
0x18: {  	[sflag:s17] =	ssyncset.done $0x0  }
0x19: {  	[sflag:s17] =	ssyncadd.s32 $0xFFFFD000  }
0x1a: {  	_ =	swait.ge [sflag:s17], $0x3000  }
0x1b: {  	[sflag:s17] =	ssyncset.done $0x0  }
0x1c: {  	[sflag:s17] =	ssyncadd.s32 $0xFFFFD000  }
0x1d: {  	_ =	swait.ge [sflag:s17], $0x3000  }
0x1e: {  	[sflag:s17] =	ssyncset.done $0x0  }
0x1f: {  	[sflag:s17] =	ssyncadd.s32 $0xFFFFD000  }
0x20: {  	_ =	swait.ge [sflag:s17], $0x3000  }
0x21: {  	[sflag:s17] =	ssyncset.done $0x0  }
0x22: {  	s18 =	ssub.s32 $0x2, s18;
	[sflag:s17] =	ssyncadd.s32 $0xFFFFD000  }
0x23: {  	s21 =	sshrl.u32 s18, $0x1;
	_ =	swait.ge [sflag:s17], $0x3000  }
0x24: {  	s30 =	ssub.s32 s18, s21;
	[sflag:s17] =	ssyncset.done $0x0  }
0x25: {  	s20 =	smul.u32 $0x2400, s20;
	s31 =	smax.u32 s30, $0x1;
	[sflag:s17] =	ssyncadd.s32 $0xFFFFD000  }
0x26: {  	p0 =	sne.s32 s31, $0x1;
	_ =	swait.ge [sflag:s17], $0x3000  }
.Ltmp0:
0x27: {  	s19 =	sadd.s32 s20, s19;
	[sflag:s17] =	ssyncset.done $0x0;
	(pc) =	sbr.rel @!p0 .LBB2_2-.Ltmp0, $4  }
0x28: {  	s18 =	sadd.s32 $0xA00, s19;
	[sflag:s17] =	ssyncadd.s32 $0xFFFFD000  }
0x29: {  	[hbm4b:s18+s3] =	stream.linear.scatter [tilespmem:s7], [sflag:$0x2], $0x12000, $0x38;
	[tilespmem:$0x12280] =	vst v63  }
0x2a: {  	_ =	swait.ge [sflag:s4], $0x12000  }
0x2b: {  	s19 =	sadd.s32 $0xFFFFFFFF, s31;
	[sflag:s4] =	ssyncset.done $0x0  }
.LBB2_1:
0x2c: {  	p0 =	sne.s32 s19, $0x1;
	s19 =	sadd.s32 $0xFFFFFFFF, s19;
	[sflag:s4] =	ssyncadd.s32 $0xFFFEE000  }
0x2d: {  	[tilespmem:s3], [sflag:$0x2] =	stream.linear.gather [hbm4b:s5+s3], $0x240, $0x38;
	[tilespmem:$0x12280] =	vst v63  }
0x2e: {  	_ =	swait.ge [sflag:s4], $0x240  }
0x2f: {  	[sflag:s4] =	ssyncset.done $0x0  }
0x30: {  	[sflag:s4] =	ssyncadd.s32 $0xFFFFFDC0  }
0x31: {  	[tilespmem:s7], [sflag:$0x1] =	stream.indirect.gather [hbm4b:s1+s6], $0x80, s3, s6, $0xb8;
	[tilespmem:$0x12280] =	vst v63  }
0x32: {  	_ = 	snop  }
0x33: {  	[tilespmem:s8], [sflag:$0x1] =	stream.indirect.gather [hbm4b:s1+s6], $0x80, s6, s6, $0xb8;
	[tilespmem:$0x12280] =	vst v63  }
0x34: {  	_ = 	snop  }
0x35: {  	[tilespmem:s10], [sflag:$0x1] =	stream.indirect.gather [hbm4b:s1+s6], $0x80, s9, s6, $0xb8;
	[tilespmem:$0x12280] =	vst v63  }
0x36: {  	_ = 	snop  }
0x37: {  	[tilespmem:s12], [sflag:$0x1] =	stream.indirect.gather [hbm4b:s1+s6], $0x80, s11, s6, $0xb8;
	[tilespmem:$0x12280] =	vst v63  }
0x38: {  	_ = 	snop  }
0x39: {  	[tilespmem:s14], [sflag:$0x1] =	stream.indirect.gather [hbm4b:s1+s6], $0x80, s13, s6, $0xb8;
	[tilespmem:$0x12280] =	vst v63  }
0x3a: {  	_ = 	snop  }
0x3b: {  	[tilespmem:s16], [sflag:$0x1] =	stream.indirect.gather [hbm4b:s1+s6], $0x80, s15, s6, $0xb8;
	[tilespmem:$0x12280] =	vst v63  }
0x3c: {  	_ =	swait.ge [sflag:s17], $0x3000  }
0x3d: {  	[sflag:s17] =	ssyncset.done $0x0  }
0x3e: {  	[sflag:s17] =	ssyncadd.s32 $0xFFFFD000  }
0x3f: {  	_ =	swait.ge [sflag:s17], $0x3000  }
0x40: {  	[sflag:s17] =	ssyncset.done $0x0  }
0x41: {  	[sflag:s17] =	ssyncadd.s32 $0xFFFFD000  }
0x42: {  	_ =	swait.ge [sflag:s17], $0x3000  }
0x43: {  	[sflag:s17] =	ssyncset.done $0x0  }
0x44: {  	[sflag:s17] =	ssyncadd.s32 $0xFFFFD000  }
0x45: {  	_ =	swait.ge [sflag:s17], $0x3000  }
0x46: {  	[sflag:s17] =	ssyncset.done $0x0  }
0x47: {  	[sflag:s17] =	ssyncadd.s32 $0xFFFFD000  }
0x48: {  	_ =	swait.ge [sflag:s17], $0x3000  }
0x49: {  	[sflag:s17] =	ssyncset.done $0x0  }
0x4a: {  	[sflag:s17] =	ssyncadd.s32 $0xFFFFD000  }
0x4b: {  	_ =	swait.ge [sflag:s17], $0x3000  }
.Ltmp1:
0x4c: {  	[sflag:s17] =	ssyncset.done $0x0;
	(pc) =	sbr.rel @p0 .LBB2_1-.Ltmp1, $4  }
0x4d: {  	[sflag:s17] =	ssyncadd.s32 $0xFFFFD000  }
0x4e: {  	[hbm4b:s18+s3] =	stream.linear.scatter [tilespmem:s7], [sflag:$0x2], $0x12000, $0x38;
	[tilespmem:$0x12280] =	vst v63  }
0x4f: {  	_ =	swait.ge [sflag:s4], $0x12000  }
0x50: {  	[sflag:s4] =	ssyncset.done $0x0  }
.LBB2_2:
0x51: {  	[sflag:s4] =	ssyncadd.s32 $0xFFFEE000  }
0x52: {  	_ =	sfence.sel $0x180000  }
0x53: {  	[bflag:$0x0] =	sbarrier.arrive $0xFFFF  }
0x54: {  	p0 =	sne.s32 s0, $0x0;
	_ =	strace $0x90000047  }
0x55: {  	s0 =	sadd.s32 @!p0 $0x100000, s2;
	[bflag:$0x2] =	sbarrier.arrive $0xFFFF  }
0x56: {  	[sflag:s0] =	ssyncadd.tile.s32 @!p0 $0x1;
	_ =	shalt  }
.Lfunc_end2:
_tile_overlayer_lowered:
.L_overlay_start_2:
0x57: {  	(tag) =	ssettag $0x2  }
0x58: {  	s0 =	rddreg [dreg:$0x0];
	s2 =	stileid.u32  }
0x59: {  	s1 =	rddreg [dreg:$0x1];
	p0 =	sne.s32 s2, $0x0  }
0x5a: {  	s3 =	rddreg [dreg:$0x2];
	[bflag:$0x3] =	sbarrier.arrive $0xFFFF;
	s2 =	simm.s32 @!p0 $0x1C02  }
0x5b: {  	[timem:s3], [sflag:s2] =	dma.local @!p0 [hbm:s0], s1  }
0x5c: {  	s0 =	simm.s32 @!p0 $0x2  }
0x5d: {  	_ =	swait.ge @!p0 [sflag:s0], s1  }
0x5e: {  	s1 =	ssub.s32 @!p0 $0x0, s1;
	[sflag:s0] =	ssyncset.done @!p0 $0x0  }
0x5f: {  	[sflag:s0] =	ssyncadd.s32 @!p0 s1  }
0x60: {  	[bflag:$0x3] =	sbarrier.arrive $0xFFFF  }
0x61: {  	_ =	shalt  }

</sc_bundles>
